<compile_context>
chip_gen: v7x
topology: tpu7x:2x2x1
jax: 0.10.2.dev20260603
libtpu: 0.0.44.dev20260713+nightly
codegen_flags: <defaults>
</compile_context>

<pallas_src>
import jax
import jax.numpy as jnp
from jax import lax
from jax.experimental import pallas as pl
from jax.experimental.pallas import tpu as pltpu
from jax.experimental.pallas import tpu_sc as plsc

_B_ROWS = 4096
_SEQ = 200
_D = 128
_B = _B_ROWS * _SEQ
_NC = 2
_NS = 16
_NW = _NC * _NS
_BPW = _B // _NW
_TURN = 400
_SUB = 200
_NSUB = _TURN // _SUB
_NTURN = _BPW // _TURN


def _emb_body(table_hbm, idx_hbm, out_hbm, idx_all,
              big0, big1, sg0, sg1, so0, so1):
    wid = lax.axis_index("s") * _NC + lax.axis_index("c")
    base = pl.multiple_of(wid * _BPW, _BPW)
    big = (big0, big1)
    sg = (sg0, sg1)
    so = (so0, so1)

    def gathers_start(t, b):
        for j in range(_NSUB):
            off = pl.multiple_of(t * _TURN + j * _SUB, 8)
            pltpu.async_copy(
                table_hbm.at[idx_all.at[pl.ds(off, _SUB)]],
                big[b].at[pl.ds(j * _SUB, _SUB), :], sg[b])

    def gathers_wait(b):
        pltpu.make_async_copy(
            table_hbm.at[idx_all.at[pl.ds(0, _TURN)]], big[b], sg[b]).wait()

    def scatter_start(t, b):
        off = pl.multiple_of(base + t * _TURN, 8)
        pltpu.async_copy(big[b], out_hbm.at[pl.ds(off, _TURN)], so[b])

    def scatter_wait(b):
        pltpu.make_async_copy(
            big[b], out_hbm.at[pl.ds(base, _TURN)], so[b]).wait()

    pltpu.sync_copy(idx_hbm.at[pl.ds(base, _BPW)], idx_all)

    gathers_start(0, 0)
    gathers_wait(0)
    scatter_start(0, 0)
    gathers_start(1, 1)

    def body(g, carry):
        t1 = 2 * g + 1
        gathers_wait(1)
        scatter_start(t1, 1)
        scatter_wait(0)
        gathers_start(t1 + 1, 0)
        gathers_wait(0)
        scatter_start(t1 + 1, 0)
        scatter_wait(1)
        gathers_start(t1 + 2, 1)
        return carry

    lax.fori_loop(0, (_NTURN - 2) // 2, body, 0)

    gathers_wait(1)
    scatter_start(_NTURN - 1, 1)
    scatter_wait(0)
    scatter_wait(1)


@jax.jit
def kernel(y, emb_weight):
    yf = y.reshape(_B)
    mesh = plsc.VectorSubcoreMesh(core_axis_name="c", subcore_axis_name="s")
    k = pl.kernel(
        _emb_body,
        out_type=jax.ShapeDtypeStruct((_B, _D), jnp.float32),
        mesh=mesh,
        scratch_types=(
            [pltpu.VMEM((_BPW,), jnp.int32)]
            + [pltpu.VMEM((_TURN, _D), jnp.float32)] * 2
            + [pltpu.SemaphoreType.DMA] * 4
        ),
    )
    out = k(emb_weight, yf)
    return out.reshape(_B_ROWS, _SEQ, _D)

# --- scband reference (transcript-rebuilt; emitter-appended) ---
"""Pipeline reference for scband-simple-embedding-47957604827307 (READ-ONLY COPY).

The authoritative reference and input builder live on the scoring server;
editing this copy changes nothing except your own understanding.
"""

import jax, jax.numpy as jnp
import numpy as np

BINS = 100000
OUT_WIDTH = 128
INIT_SCALE = 1.0


def setup_inputs(seed: int = 0) -> dict:
    key = jax.random.key(seed)
    k_idx, k_w = jax.random.split(key)
    y = jax.random.randint(k_idx, (4096, 200), 0, BINS, dtype=jnp.int64 if jax.config.jax_enable_x64 else jnp.int32)
    emb_weight = jax.random.normal(k_w, (BINS, OUT_WIDTH), dtype=jnp.float32) * (0.01 * INIT_SCALE)
    return {"y": y, "emb_weight": emb_weight}


def reference(y, emb_weight):
    # SimpleEmbedding.forward: assert 2-D long indices in [0, bins), then embedding lookup
    assert y.ndim == 2
    out = jnp.take(emb_weight, y, axis=0)
    return out

if __name__ == "__main__":
    import jax
    _d = setup_inputs()
    print(jax.jit(kernel)(*tuple(_d.values())))

</pallas_src>

<mosaic_0001>
#map = affine_map<(d0, d1) -> (0, 0)>
#map1 = affine_map<(d0, d1) -> (0)>
module attributes {stable_mosaic.version = 14 : i64} {
  func.func @_emb_body(%arg0: i32, %arg1: i32, %arg2: memref<100000x128xf32, #tpu.memory_space<hbm>>, %arg3: memref<819200xi32, #tpu.memory_space<hbm>>, %arg4: memref<819200x128xf32, #tpu.memory_space<hbm>>, %arg5: memref<25600xi32, #tpu.memory_space<vmem>>, %arg6: memref<400x128xf32, #tpu.memory_space<vmem>>, %arg7: memref<400x128xf32, #tpu.memory_space<vmem>>, %arg8: memref<!tpu.dma_semaphore, #tpu.memory_space<semaphore_mem>>, %arg9: memref<!tpu.dma_semaphore, #tpu.memory_space<semaphore_mem>>, %arg10: memref<!tpu.dma_semaphore, #tpu.memory_space<semaphore_mem>>, %arg11: memref<!tpu.dma_semaphore, #tpu.memory_space<semaphore_mem>>) attributes {dimension_semantics = [#tpu.dimension_semantics<core_parallel>, #tpu.dimension_semantics<subcore_parallel>], iteration_bounds = array<i64: 2, 16>, scalar_prefetch = 0 : i64, scratch_operands = 7 : i64, tpu.core_type = #tpu.core_type<sc_vector_subcore>, window_params = [{transform_indices = #map}, {transform_indices = #map1}, {transform_indices = #map}]} {
    %mul3A = arith.constant 2 : i32
    %mul3A_0 = arith.muli %arg1, %mul3A : i32
    %add3A = arith.addi %mul3A_0, %arg0 : i32
    %mul3A_1 = arith.constant 25600 : i32
    %mul3A_2 = arith.muli %add3A, %mul3A_1 : i32
    %multiple_of3A = tpu.assume_multiple %mul3A_2, 25600 : i32
    "tpu.region"() ({
      %run_scoped3A = tpu.sem_alloc : memref<!tpu.dma_semaphore, #tpu.memory_space<semaphore_mem>>
      %dma_start3A_74 = tpu.memref_slice %arg3[%multiple_of3A] : memref<819200xi32, #tpu.memory_space<hbm>> -> memref<25600xi32, #tpu.memory_space<hbm>>
      %dma_start3A_75 = tpu.memref_slice %arg3[%multiple_of3A] : memref<819200xi32, #tpu.memory_space<hbm>> -> memref<25600xi32, #tpu.memory_space<hbm>>
      tpu.enqueue_dma source(%dma_start3A_75 : memref<25600xi32, #tpu.memory_space<hbm>>) target(%arg5 : memref<25600xi32, #tpu.memory_space<vmem>>) target_semaphore(%run_scoped3A : memref<!tpu.dma_semaphore, #tpu.memory_space<semaphore_mem>>)
      %dma_wait3A_76 = tpu.memref_slice %arg3[%multiple_of3A] : memref<819200xi32, #tpu.memory_space<hbm>> -> memref<25600xi32, #tpu.memory_space<hbm>>
      %dma_wait3A_77 = tpu.memref_slice %arg3[%multiple_of3A] : memref<819200xi32, #tpu.memory_space<hbm>> -> memref<25600xi32, #tpu.memory_space<hbm>>
      tpu.wait_dma2 semaphore(%run_scoped3A : memref<!tpu.dma_semaphore, #tpu.memory_space<semaphore_mem>>) src(%dma_wait3A_77 : memref<25600xi32, #tpu.memory_space<hbm>>) dst(%arg5 : memref<25600xi32, #tpu.memory_space<vmem>>)
      tpu.yield
    }) : () -> ()
    %multiple_of3A_3 = arith.constant 0 : i32
    %multiple_of3A_4 = tpu.assume_multiple %multiple_of3A_3, 8 : i32
    %dma_start3A = arith.constant 0 : i32
    %dma_start3A_5 = arith.constant 0 : i32
    %dma_start3A_6 = tpu.memref_slice %arg6[%dma_start3A, %dma_start3A_5] : memref<400x128xf32, #tpu.memory_space<vmem>> -> memref<200x128xf32, #tpu.memory_space<vmem>>
    %dma_start3A_7 = tpu.memref_slice %arg5[%multiple_of3A_4] : memref<25600xi32, #tpu.memory_space<vmem>> -> memref<200xi32, #tpu.memory_space<vmem>>
    %dma_start3A_8 = arith.constant 0 : i32
    %dma_start3A_9 = arith.constant 0 : i32
    %dma_start3A_10 = tpu.memref_slice %arg2[%dma_start3A_8, %dma_start3A_9] : memref<100000x128xf32, #tpu.memory_space<hbm>> -> memref<100000x128xf32, #tpu.memory_space<hbm>>
    tpu.enqueue_indirect_dma source(%dma_start3A_10 : memref<100000x128xf32, #tpu.memory_space<hbm>>) target(%dma_start3A_6 : memref<200x128xf32, #tpu.memory_space<vmem>>) offsets(%dma_start3A_7 : memref<200xi32, #tpu.memory_space<vmem>>) semaphore(%arg8 : memref<!tpu.dma_semaphore, #tpu.memory_space<semaphore_mem>>)
    %multiple_of3A_11 = arith.constant 200 : i32
    %multiple_of3A_12 = tpu.assume_multiple %multiple_of3A_11, 8 : i32
    %dma_start3A_13 = arith.constant 200 : i32
    %dma_start3A_14 = arith.constant 0 : i32
    %dma_start3A_15 = tpu.memref_slice %arg6[%dma_start3A_13, %dma_start3A_14] : memref<400x128xf32, #tpu.memory_space<vmem>> -> memref<200x128xf32, #tpu.memory_space<vmem>>
    %dma_start3A_16 = tpu.memref_slice %arg5[%multiple_of3A_12] : memref<25600xi32, #tpu.memory_space<vmem>> -> memref<200xi32, #tpu.memory_space<vmem>>
    %dma_start3A_17 = arith.constant 0 : i32
    %dma_start3A_18 = arith.constant 0 : i32
    %dma_start3A_19 = tpu.memref_slice %arg2[%dma_start3A_17, %dma_start3A_18] : memref<100000x128xf32, #tpu.memory_space<hbm>> -> memref<100000x128xf32, #tpu.memory_space<hbm>>
    tpu.enqueue_indirect_dma source(%dma_start3A_19 : memref<100000x128xf32, #tpu.memory_space<hbm>>) target(%dma_start3A_15 : memref<200x128xf32, #tpu.memory_space<vmem>>) offsets(%dma_start3A_16 : memref<200xi32, #tpu.memory_space<vmem>>) semaphore(%arg8 : memref<!tpu.dma_semaphore, #tpu.memory_space<semaphore_mem>>)
    %dma_wait3A = arith.constant 0 : i32
    %dma_wait3A_20 = tpu.memref_slice %arg5[%dma_wait3A] : memref<25600xi32, #tpu.memory_space<vmem>> -> memref<400xi32, #tpu.memory_space<vmem>>
    %dma_wait3A_21 = arith.constant 0 : i32
    %dma_wait3A_22 = arith.constant 0 : i32
    %dma_wait3A_23 = tpu.memref_slice %arg2[%dma_wait3A_21, %dma_wait3A_22] : memref<100000x128xf32, #tpu.memory_space<hbm>> -> memref<100000x128xf32, #tpu.memory_space<hbm>>
    tpu.wait_indirect_dma semaphore(%arg8 : memref<!tpu.dma_semaphore, #tpu.memory_space<semaphore_mem>>) src(%dma_wait3A_23 : memref<100000x128xf32, #tpu.memory_space<hbm>>) dst(%arg6 : memref<400x128xf32, #tpu.memory_space<vmem>>)
    %add3A_24 = arith.constant 0 : i32
    %add3A_25 = arith.addi %multiple_of3A, %add3A_24 : i32
    %multiple_of3A_26 = tpu.assume_multiple %add3A_25, 8 : i32
    %dma_start3A_27 = arith.constant 0 : i32
    %dma_start3A_28 = tpu.memref_slice %arg4[%multiple_of3A_26, %dma_start3A_27] : memref<819200x128xf32, #tpu.memory_space<hbm>> -> memref<400x128xf32, #tpu.memory_space<hbm>>
    %dma_start3A_29 = arith.constant 0 : i32
    %dma_start3A_30 = tpu.memref_slice %arg4[%multiple_of3A_26, %dma_start3A_29] : memref<819200x128xf32, #tpu.memory_space<hbm>> -> memref<400x128xf32, #tpu.memory_space<hbm>>
    tpu.enqueue_dma source(%arg6 : memref<400x128xf32, #tpu.memory_space<vmem>>) target(%dma_start3A_30 : memref<400x128xf32, #tpu.memory_space<hbm>>) target_semaphore(%arg10 : memref<!tpu.dma_semaphore, #tpu.memory_space<semaphore_mem>>)
    %multiple_of3A_31 = arith.constant 400 : i32
    %multiple_of3A_32 = tpu.assume_multiple %multiple_of3A_31, 8 : i32
    %dma_start3A_33 = arith.constant 0 : i32
    %dma_start3A_34 = arith.constant 0 : i32
    %dma_start3A_35 = tpu.memref_slice %arg7[%dma_start3A_33, %dma_start3A_34] : memref<400x128xf32, #tpu.memory_space<vmem>> -> memref<200x128xf32, #tpu.memory_space<vmem>>
    %dma_start3A_36 = tpu.memref_slice %arg5[%multiple_of3A_32] : memref<25600xi32, #tpu.memory_space<vmem>> -> memref<200xi32, #tpu.memory_space<vmem>>
    %dma_start3A_37 = arith.constant 0 : i32
    %dma_start3A_38 = arith.constant 0 : i32
    %dma_start3A_39 = tpu.memref_slice %arg2[%dma_start3A_37, %dma_start3A_38] : memref<100000x128xf32, #tpu.memory_space<hbm>> -> memref<100000x128xf32, #tpu.memory_space<hbm>>
    tpu.enqueue_indirect_dma source(%dma_start3A_39 : memref<100000x128xf32, #tpu.memory_space<hbm>>) target(%dma_start3A_35 : memref<200x128xf32, #tpu.memory_space<vmem>>) offsets(%dma_start3A_36 : memref<200xi32, #tpu.memory_space<vmem>>) semaphore(%arg9 : memref<!tpu.dma_semaphore, #tpu.memory_space<semaphore_mem>>)
    %multiple_of3A_40 = arith.constant 600 : i32
    %multiple_of3A_41 = tpu.assume_multiple %multiple_of3A_40, 8 : i32
    %dma_start3A_42 = arith.constant 200 : i32
    %dma_start3A_43 = arith.constant 0 : i32
    %dma_start3A_44 = tpu.memref_slice %arg7[%dma_start3A_42, %dma_start3A_43] : memref<400x128xf32, #tpu.memory_space<vmem>> -> memref<200x128xf32, #tpu.memory_space<vmem>>
    %dma_start3A_45 = tpu.memref_slice %arg5[%multiple_of3A_41] : memref<25600xi32, #tpu.memory_space<vmem>> -> memref<200xi32, #tpu.memory_space<vmem>>
    %dma_start3A_46 = arith.constant 0 : i32
    %dma_start3A_47 = arith.constant 0 : i32
    %dma_start3A_48 = tpu.memref_slice %arg2[%dma_start3A_46, %dma_start3A_47] : memref<100000x128xf32, #tpu.memory_space<hbm>> -> memref<100000x128xf32, #tpu.memory_space<hbm>>
    tpu.enqueue_indirect_dma source(%dma_start3A_48 : memref<100000x128xf32, #tpu.memory_space<hbm>>) target(%dma_start3A_44 : memref<200x128xf32, #tpu.memory_space<vmem>>) offsets(%dma_start3A_45 : memref<200xi32, #tpu.memory_space<vmem>>) semaphore(%arg9 : memref<!tpu.dma_semaphore, #tpu.memory_space<semaphore_mem>>)
    %scan3A = arith.constant 0 : i32
    %scan3A_49 = arith.constant 0 : i32
    %scan3A_50 = arith.constant 31 : i32
    %scan3A_51 = arith.addi %scan3A_49, %scan3A_50 : i32
    %scan3A_52 = arith.constant 1 : i32
    scf.for %scan3A_74 = %scan3A_49 to %scan3A_51 step %scan3A_52  : i32 {
      %mul3A_75 = arith.constant 2 : i32
      %mul3A_76 = arith.muli %mul3A_75, %scan3A_74 : i32
      %add3A_77 = arith.constant 1 : i32
      %add3A_78 = arith.addi %mul3A_76, %add3A_77 : i32
      %dma_wait3A_79 = arith.constant 0 : i32
      %dma_wait3A_80 = tpu.memref_slice %arg5[%dma_wait3A_79] : memref<25600xi32, #tpu.memory_space<vmem>> -> memref<400xi32, #tpu.memory_space<vmem>>
      %dma_wait3A_81 = arith.constant 0 : i32
      %dma_wait3A_82 = arith.constant 0 : i32
      %dma_wait3A_83 = tpu.memref_slice %arg2[%dma_wait3A_81, %dma_wait3A_82] : memref<100000x128xf32, #tpu.memory_space<hbm>> -> memref<100000x128xf32, #tpu.memory_space<hbm>>
      tpu.wait_indirect_dma semaphore(%arg9 : memref<!tpu.dma_semaphore, #tpu.memory_space<semaphore_mem>>) src(%dma_wait3A_83 : memref<100000x128xf32, #tpu.memory_space<hbm>>) dst(%arg7 : memref<400x128xf32, #tpu.memory_space<vmem>>)
      %mul3A_84 = arith.constant 400 : i32
      %mul3A_85 = arith.muli %add3A_78, %mul3A_84 : i32
      %add3A_86 = arith.addi %multiple_of3A, %mul3A_85 : i32
      %multiple_of3A_87 = tpu.assume_multiple %add3A_86, 8 : i32
      %dma_start3A_88 = arith.constant 0 : i32
      %dma_start3A_89 = tpu.memref_slice %arg4[%multiple_of3A_87, %dma_start3A_88] : memref<819200x128xf32, #tpu.memory_space<hbm>> -> memref<400x128xf32, #tpu.memory_space<hbm>>
      %dma_start3A_90 = arith.constant 0 : i32
      %dma_start3A_91 = tpu.memref_slice %arg4[%multiple_of3A_87, %dma_start3A_90] : memref<819200x128xf32, #tpu.memory_space<hbm>> -> memref<400x128xf32, #tpu.memory_space<hbm>>
      tpu.enqueue_dma source(%arg7 : memref<400x128xf32, #tpu.memory_space<vmem>>) target(%dma_start3A_91 : memref<400x128xf32, #tpu.memory_space<hbm>>) target_semaphore(%arg11 : memref<!tpu.dma_semaphore, #tpu.memory_space<semaphore_mem>>)
      %dma_wait3A_92 = arith.constant 0 : i32
      %dma_wait3A_93 = tpu.memref_slice %arg4[%multiple_of3A, %dma_wait3A_92] : memref<819200x128xf32, #tpu.memory_space<hbm>> -> memref<400x128xf32, #tpu.memory_space<hbm>>
      %dma_wait3A_94 = arith.constant 0 : i32
      %dma_wait3A_95 = tpu.memref_slice %arg4[%multiple_of3A, %dma_wait3A_94] : memref<819200x128xf32, #tpu.memory_space<hbm>> -> memref<400x128xf32, #tpu.memory_space<hbm>>
      tpu.wait_dma2 semaphore(%arg10 : memref<!tpu.dma_semaphore, #tpu.memory_space<semaphore_mem>>) src(%arg6 : memref<400x128xf32, #tpu.memory_space<vmem>>) dst(%dma_wait3A_95 : memref<400x128xf32, #tpu.memory_space<hbm>>)
      %add3A_96 = arith.constant 1 : i32
      %add3A_97 = arith.addi %add3A_78, %add3A_96 : i32
      %mul3A_98 = arith.constant 400 : i32
      %mul3A_99 = arith.muli %add3A_97, %mul3A_98 : i32
      %add3A_100 = arith.constant 0 : i32
      %add3A_101 = arith.addi %mul3A_99, %add3A_100 : i32
      %multiple_of3A_102 = tpu.assume_multiple %add3A_101, 8 : i32
      %dma_start3A_103 = arith.constant 0 : i32
      %dma_start3A_104 = arith.constant 0 : i32
      %dma_start3A_105 = tpu.memref_slice %arg6[%dma_start3A_103, %dma_start3A_104] : memref<400x128xf32, #tpu.memory_space<vmem>> -> memref<200x128xf32, #tpu.memory_space<vmem>>
      %dma_start3A_106 = tpu.memref_slice %arg5[%multiple_of3A_102] : memref<25600xi32, #tpu.memory_space<vmem>> -> memref<200xi32, #tpu.memory_space<vmem>>
      %dma_start3A_107 = arith.constant 0 : i32
      %dma_start3A_108 = arith.constant 0 : i32
      %dma_start3A_109 = tpu.memref_slice %arg2[%dma_start3A_107, %dma_start3A_108] : memref<100000x128xf32, #tpu.memory_space<hbm>> -> memref<100000x128xf32, #tpu.memory_space<hbm>>
      tpu.enqueue_indirect_dma source(%dma_start3A_109 : memref<100000x128xf32, #tpu.memory_space<hbm>>) target(%dma_start3A_105 : memref<200x128xf32, #tpu.memory_space<vmem>>) offsets(%dma_start3A_106 : memref<200xi32, #tpu.memory_space<vmem>>) semaphore(%arg8 : memref<!tpu.dma_semaphore, #tpu.memory_space<semaphore_mem>>)
      %mul3A_110 = arith.constant 400 : i32
      %mul3A_111 = arith.muli %add3A_97, %mul3A_110 : i32
      %add3A_112 = arith.constant 200 : i32
      %add3A_113 = arith.addi %mul3A_111, %add3A_112 : i32
      %multiple_of3A_114 = tpu.assume_multiple %add3A_113, 8 : i32
      %dma_start3A_115 = arith.constant 200 : i32
      %dma_start3A_116 = arith.constant 0 : i32
      %dma_start3A_117 = tpu.memref_slice %arg6[%dma_start3A_115, %dma_start3A_116] : memref<400x128xf32, #tpu.memory_space<vmem>> -> memref<200x128xf32, #tpu.memory_space<vmem>>
      %dma_start3A_118 = tpu.memref_slice %arg5[%multiple_of3A_114] : memref<25600xi32, #tpu.memory_space<vmem>> -> memref<200xi32, #tpu.memory_space<vmem>>
      %dma_start3A_119 = arith.constant 0 : i32
      %dma_start3A_120 = arith.constant 0 : i32
      %dma_start3A_121 = tpu.memref_slice %arg2[%dma_start3A_119, %dma_start3A_120] : memref<100000x128xf32, #tpu.memory_space<hbm>> -> memref<100000x128xf32, #tpu.memory_space<hbm>>
      tpu.enqueue_indirect_dma source(%dma_start3A_121 : memref<100000x128xf32, #tpu.memory_space<hbm>>) target(%dma_start3A_117 : memref<200x128xf32, #tpu.memory_space<vmem>>) offsets(%dma_start3A_118 : memref<200xi32, #tpu.memory_space<vmem>>) semaphore(%arg8 : memref<!tpu.dma_semaphore, #tpu.memory_space<semaphore_mem>>)
      %dma_wait3A_122 = arith.constant 0 : i32
      %dma_wait3A_123 = tpu.memref_slice %arg5[%dma_wait3A_122] : memref<25600xi32, #tpu.memory_space<vmem>> -> memref<400xi32, #tpu.memory_space<vmem>>
      %dma_wait3A_124 = arith.constant 0 : i32
      %dma_wait3A_125 = arith.constant 0 : i32
      %dma_wait3A_126 = tpu.memref_slice %arg2[%dma_wait3A_124, %dma_wait3A_125] : memref<100000x128xf32, #tpu.memory_space<hbm>> -> memref<100000x128xf32, #tpu.memory_space<hbm>>
      tpu.wait_indirect_dma semaphore(%arg8 : memref<!tpu.dma_semaphore, #tpu.memory_space<semaphore_mem>>) src(%dma_wait3A_126 : memref<100000x128xf32, #tpu.memory_space<hbm>>) dst(%arg6 : memref<400x128xf32, #tpu.memory_space<vmem>>)
      %add3A_127 = arith.constant 1 : i32
      %add3A_128 = arith.addi %add3A_78, %add3A_127 : i32
      %mul3A_129 = arith.constant 400 : i32
      %mul3A_130 = arith.muli %add3A_128, %mul3A_129 : i32
      %add3A_131 = arith.addi %multiple_of3A, %mul3A_130 : i32
      %multiple_of3A_132 = tpu.assume_multiple %add3A_131, 8 : i32
      %dma_start3A_133 = arith.constant 0 : i32
      %dma_start3A_134 = tpu.memref_slice %arg4[%multiple_of3A_132, %dma_start3A_133] : memref<819200x128xf32, #tpu.memory_space<hbm>> -> memref<400x128xf32, #tpu.memory_space<hbm>>
      %dma_start3A_135 = arith.constant 0 : i32
      %dma_start3A_136 = tpu.memref_slice %arg4[%multiple_of3A_132, %dma_start3A_135] : memref<819200x128xf32, #tpu.memory_space<hbm>> -> memref<400x128xf32, #tpu.memory_space<hbm>>
      tpu.enqueue_dma source(%arg6 : memref<400x128xf32, #tpu.memory_space<vmem>>) target(%dma_start3A_136 : memref<400x128xf32, #tpu.memory_space<hbm>>) target_semaphore(%arg10 : memref<!tpu.dma_semaphore, #tpu.memory_space<semaphore_mem>>)
      %dma_wait3A_137 = arith.constant 0 : i32
      %dma_wait3A_138 = tpu.memref_slice %arg4[%multiple_of3A, %dma_wait3A_137] : memref<819200x128xf32, #tpu.memory_space<hbm>> -> memref<400x128xf32, #tpu.memory_space<hbm>>
      %dma_wait3A_139 = arith.constant 0 : i32
      %dma_wait3A_140 = tpu.memref_slice %arg4[%multiple_of3A, %dma_wait3A_139] : memref<819200x128xf32, #tpu.memory_space<hbm>> -> memref<400x128xf32, #tpu.memory_space<hbm>>
      tpu.wait_dma2 semaphore(%arg11 : memref<!tpu.dma_semaphore, #tpu.memory_space<semaphore_mem>>) src(%arg7 : memref<400x128xf32, #tpu.memory_space<vmem>>) dst(%dma_wait3A_140 : memref<400x128xf32, #tpu.memory_space<hbm>>)
      %add3A_141 = arith.constant 2 : i32
      %add3A_142 = arith.addi %add3A_78, %add3A_141 : i32
      %mul3A_143 = arith.constant 400 : i32
      %mul3A_144 = arith.muli %add3A_142, %mul3A_143 : i32
      %add3A_145 = arith.constant 0 : i32
      %add3A_146 = arith.addi %mul3A_144, %add3A_145 : i32
      %multiple_of3A_147 = tpu.assume_multiple %add3A_146, 8 : i32
      %dma_start3A_148 = arith.constant 0 : i32
      %dma_start3A_149 = arith.constant 0 : i32
      %dma_start3A_150 = tpu.memref_slice %arg7[%dma_start3A_148, %dma_start3A_149] : memref<400x128xf32, #tpu.memory_space<vmem>> -> memref<200x128xf32, #tpu.memory_space<vmem>>
      %dma_start3A_151 = tpu.memref_slice %arg5[%multiple_of3A_147] : memref<25600xi32, #tpu.memory_space<vmem>> -> memref<200xi32, #tpu.memory_space<vmem>>
      %dma_start3A_152 = arith.constant 0 : i32
      %dma_start3A_153 = arith.constant 0 : i32
      %dma_start3A_154 = tpu.memref_slice %arg2[%dma_start3A_152, %dma_start3A_153] : memref<100000x128xf32, #tpu.memory_space<hbm>> -> memref<100000x128xf32, #tpu.memory_space<hbm>>
      tpu.enqueue_indirect_dma source(%dma_start3A_154 : memref<100000x128xf32, #tpu.memory_space<hbm>>) target(%dma_start3A_150 : memref<200x128xf32, #tpu.memory_space<vmem>>) offsets(%dma_start3A_151 : memref<200xi32, #tpu.memory_space<vmem>>) semaphore(%arg9 : memref<!tpu.dma_semaphore, #tpu.memory_space<semaphore_mem>>)
      %mul3A_155 = arith.constant 400 : i32
      %mul3A_156 = arith.muli %add3A_142, %mul3A_155 : i32
      %add3A_157 = arith.constant 200 : i32
      %add3A_158 = arith.addi %mul3A_156, %add3A_157 : i32
      %multiple_of3A_159 = tpu.assume_multiple %add3A_158, 8 : i32
      %dma_start3A_160 = arith.constant 200 : i32
      %dma_start3A_161 = arith.constant 0 : i32
      %dma_start3A_162 = tpu.memref_slice %arg7[%dma_start3A_160, %dma_start3A_161] : memref<400x128xf32, #tpu.memory_space<vmem>> -> memref<200x128xf32, #tpu.memory_space<vmem>>
      %dma_start3A_163 = tpu.memref_slice %arg5[%multiple_of3A_159] : memref<25600xi32, #tpu.memory_space<vmem>> -> memref<200xi32, #tpu.memory_space<vmem>>
      %dma_start3A_164 = arith.constant 0 : i32
      %dma_start3A_165 = arith.constant 0 : i32
      %dma_start3A_166 = tpu.memref_slice %arg2[%dma_start3A_164, %dma_start3A_165] : memref<100000x128xf32, #tpu.memory_space<hbm>> -> memref<100000x128xf32, #tpu.memory_space<hbm>>
      tpu.enqueue_indirect_dma source(%dma_start3A_166 : memref<100000x128xf32, #tpu.memory_space<hbm>>) target(%dma_start3A_162 : memref<200x128xf32, #tpu.memory_space<vmem>>) offsets(%dma_start3A_163 : memref<200xi32, #tpu.memory_space<vmem>>) semaphore(%arg9 : memref<!tpu.dma_semaphore, #tpu.memory_space<semaphore_mem>>)
    }
    %scan3A_53 = arith.constant 31 : i32
    %dma_wait3A_54 = arith.constant 0 : i32
    %dma_wait3A_55 = tpu.memref_slice %arg5[%dma_wait3A_54] : memref<25600xi32, #tpu.memory_space<vmem>> -> memref<400xi32, #tpu.memory_space<vmem>>
    %dma_wait3A_56 = arith.constant 0 : i32
    %dma_wait3A_57 = arith.constant 0 : i32
    %dma_wait3A_58 = tpu.memref_slice %arg2[%dma_wait3A_56, %dma_wait3A_57] : memref<100000x128xf32, #tpu.memory_space<hbm>> -> memref<100000x128xf32, #tpu.memory_space<hbm>>
    tpu.wait_indirect_dma semaphore(%arg9 : memref<!tpu.dma_semaphore, #tpu.memory_space<semaphore_mem>>) src(%dma_wait3A_58 : memref<100000x128xf32, #tpu.memory_space<hbm>>) dst(%arg7 : memref<400x128xf32, #tpu.memory_space<vmem>>)
    %add3A_59 = arith.constant 25200 : i32
    %add3A_60 = arith.addi %multiple_of3A, %add3A_59 : i32
    %multiple_of3A_61 = tpu.assume_multiple %add3A_60, 8 : i32
    %dma_start3A_62 = arith.constant 0 : i32
    %dma_start3A_63 = tpu.memref_slice %arg4[%multiple_of3A_61, %dma_start3A_62] : memref<819200x128xf32, #tpu.memory_space<hbm>> -> memref<400x128xf32, #tpu.memory_space<hbm>>
    %dma_start3A_64 = arith.constant 0 : i32
    %dma_start3A_65 = tpu.memref_slice %arg4[%multiple_of3A_61, %dma_start3A_64] : memref<819200x128xf32, #tpu.memory_space<hbm>> -> memref<400x128xf32, #tpu.memory_space<hbm>>
    tpu.enqueue_dma source(%arg7 : memref<400x128xf32, #tpu.memory_space<vmem>>) target(%dma_start3A_65 : memref<400x128xf32, #tpu.memory_space<hbm>>) target_semaphore(%arg11 : memref<!tpu.dma_semaphore, #tpu.memory_space<semaphore_mem>>)
    %dma_wait3A_66 = arith.constant 0 : i32
    %dma_wait3A_67 = tpu.memref_slice %arg4[%multiple_of3A, %dma_wait3A_66] : memref<819200x128xf32, #tpu.memory_space<hbm>> -> memref<400x128xf32, #tpu.memory_space<hbm>>
    %dma_wait3A_68 = arith.constant 0 : i32
    %dma_wait3A_69 = tpu.memref_slice %arg4[%multiple_of3A, %dma_wait3A_68] : memref<819200x128xf32, #tpu.memory_space<hbm>> -> memref<400x128xf32, #tpu.memory_space<hbm>>
    tpu.wait_dma2 semaphore(%arg10 : memref<!tpu.dma_semaphore, #tpu.memory_space<semaphore_mem>>) src(%arg6 : memref<400x128xf32, #tpu.memory_space<vmem>>) dst(%dma_wait3A_69 : memref<400x128xf32, #tpu.memory_space<hbm>>)
    %dma_wait3A_70 = arith.constant 0 : i32
    %dma_wait3A_71 = tpu.memref_slice %arg4[%multiple_of3A, %dma_wait3A_70] : memref<819200x128xf32, #tpu.memory_space<hbm>> -> memref<400x128xf32, #tpu.memory_space<hbm>>
    %dma_wait3A_72 = arith.constant 0 : i32
    %dma_wait3A_73 = tpu.memref_slice %arg4[%multiple_of3A, %dma_wait3A_72] : memref<819200x128xf32, #tpu.memory_space<hbm>> -> memref<400x128xf32, #tpu.memory_space<hbm>>
    tpu.wait_dma2 semaphore(%arg11 : memref<!tpu.dma_semaphore, #tpu.memory_space<semaphore_mem>>) src(%arg7 : memref<400x128xf32, #tpu.memory_space<vmem>>) dst(%dma_wait3A_73 : memref<400x128xf32, #tpu.memory_space<hbm>>)
    return
  }
}

</mosaic_0001>

<sc_bundles>
// kernel: kernel.3.cloned.1.call-start
scs
__scs_entry_jumppad:
0x0: {  	(pc) =	sbr.rel $0x88, $3  }
0x1: {  	(tag) =	ssettag $0x0;
	lr =	simm.s32 $0x1  }
0x2: {  	[smem:$0x3F9F] =	sst lr;
	_ =	strace $0xD0000000  }
0x3: {  	_ = 	snop  }
0x4: {  	_ = 	snop  }
0x5: {  	_ = 	snop  }
0x6: {  	_ = 	snop  }
0x7: {  	_ = 	snop  }
__scs_overlays_trampoline_lowered:
0x8: {  	[smem:$0x3FAE] =	sst s0  }
0x9: {  	[smem:$0x3FAF] =	sst s1  }
0xa: {  	[smem:$0x3FB0] =	sst s2  }
0xb: {  	[smem:$0x3FB1] =	sst s3  }
0xc: {  	[smem:$0x3FB2] =	sst s4  }
0xd: {  	[smem:$0x3FB3] =	sst s5  }
0xe: {  	[smem:$0x3FB4] =	sst s6  }
0xf: {  	[smem:$0x3FB5] =	sst s7  }
0x10: {  	[smem:$0x3FB6] =	sst s8  }
0x11: {  	[smem:$0x3FB7] =	sst s9;
	s0 =	simm.s32 @!p0 $0x0  }
0x12: {  	s1 =	sld [smem:$0x3F9D];
	s0 =	simm.s32 @p0 $0x1  }
0x13: {  	[smem:$0x3FB8] =	sst s0;
	s0 =	simm.s32 @!p1 $0x0  }
0x14: {  	s2 =	sld [smem:$0x3F9C];
	s0 =	simm.s32 @p1 $0x1  }
0x15: {  	[smem:$0x3FB9] =	sst s0;
	s0 =	simm.s32 @!p2 $0x0  }
0x16: {  	s3 =	sld [smem:$0x3FDB];
	s0 =	simm.s32 @p2 $0x1  }
0x17: {  	s4 =	simm.s32 $0x1BF5;
	[smem:$0x3FBB] =	sst s0  }
0x18: {  	s0 =	sld [smem:$0x3F9E];
	_ =	swait.ge [sflag:s4], $0x0  }
0x19: {  	s7 =	sld [smem:$0x3F9F]  }
0x1a: {  	s8 =	sadd.s32 $0xFFFFE003, lr  }
0x1b: {  	s9 =	sadd.s32 $0xFFFFFEF7, lr;
	s5 =	simm.s32 $0xFFFFFFFF;
	p2 =	slt.u32 s8, $0xFFFFF086  }
0x1c: {  	p1 =	slt.u32 s9, $0xF7A;
	s5 =	simm.s32 @!p2 $0x0  }
0x1d: {  	s5 =	simm.s32 @p1 $0x1;
	p0 =	seq.s32 s7, s2  }
0x1e: {  	s7 =	smul.u32 @!p0 $0xF7A, s2;
	p2 =	seq.s32 @!p0 s5, $0x0  }
0x1f: {  	s9 =	smul.u32 $0xF7A, s1;
	s8 =	simm.s32 @!p0 $0x1BF5;
	p2 =	por !p2, p0  }
0x20: {  	[sflag:s8] =	ssyncset.s32 @!p0 $0xFFFFF086;
	s6 =	sadd.s32 @!p0 s3, s7;
	s7 =	simm.s32 @!p0 $0x108  }
0x21: {  	s3 =	sadd.s32 s3, s9;
	s6 =	sadd.s32 @!p0 $0x88, s6;
	s7 =	simm.s32 @p2 $0x1082  }
0x22: {  	[simem:s7], [sflag:s8] =	dma.local @!p0 [hbm:s6], $0xF7A  }
0x23: {  	s9 =	sor.u32 $0xD0000000, s2;
	s6 =	simm.s32 $0x108;
	_ =	swait.ge @!p0 [sflag:s8], $0x0  }
0x24: {  	s3 =	sadd.s32 $0x88, s3;
	s6 =	simm.s32 @!p1 $0x1082;
	[sflag:s4] =	ssyncset.s32 $0xFFFFF086  }
0x25: {  	[simem:s6], [sflag:s4] =	dma.local [hbm:s3], $0xF7A  }
0x26: {  	[smem:$0x3F9F] =	sst s1;
	(tag) =	ssettag s2;
	_ =	strace s9  }
0x27: {  	s1 =	sld [smem:$0x3FAF]  }
0x28: {  	s2 =	sld [smem:$0x3FB0]  }
0x29: {  	s4 =	sld [smem:$0x3FB2]  }
0x2a: {  	p0 =	seq.s32 s5, $0x0;
	s5 =	sld [smem:$0x3FB3]  }
0x2b: {  	s6 =	sld [smem:$0x3FB4]  }
0x2c: {  	s7 =	sld [smem:$0x3FB5]  }
0x2d: {  	s3 =	simm.s32 $0x108;
	s8 =	sld [smem:$0x3FB6]  }
0x2e: {  	s3 =	simm.s32 @!p0 $0x1082;
	s9 =	sld [smem:$0x3FB7]  }
0x2f: {  	lr =	sadd.s32 s0, s3;
	s0 =	sld [smem:$0x3FAE]  }
0x30: {  	s3 =	sld [smem:$0x3FB1]  }
0x31: {  	[smem:$0x3FBA] =	sst s10  }
0x32: {  	s10 =	sld [smem:$0x3FB8];
	_ =	sdelay $0x3  }
0x33: {  	p0 =	seq.s32 s10, $0x1;
	s10 =	sld [smem:$0x3FBA];
	_ =	sdelay $0x3  }
0x34: {  	[smem:$0x3FBA] =	sst s10  }
0x35: {  	s10 =	sld [smem:$0x3FB9];
	_ =	sdelay $0x3  }
0x36: {  	p1 =	seq.s32 s10, $0x1;
	s10 =	sld [smem:$0x3FBA];
	_ =	sdelay $0x3  }
0x37: {  	[smem:$0x3FBA] =	sst s10  }
0x38: {  	s10 =	sld [smem:$0x3FBB]  }
0x39: {  	_ = 	snop;
	(pc) =	sbr.ind lr, $3  }
0x3a: {  	_ = 	snop  }
0x3b: {  	_ = 	snop  }
0x3c: {  	p2 =	seq.s32 s10, $0x1;
	s10 =	sld [smem:$0x3FBA]  }
0x3d: {  	_ =	shalt  }
0x3e: {  	_ =	shalt  }
0x3f: {  	_ =	shalt  }
0x40: {  	_ =	shalt  }
0x41: {  	_ =	shalt  }
0x42: {  	_ =	shalt  }
0x43: {  	_ =	shalt  }
0x44: {  	_ =	shalt  }
0x45: {  	_ =	shalt  }
0x46: {  	_ =	shalt  }
0x47: {  	_ =	shalt  }
0x48: {  	_ =	shalt  }
0x49: {  	_ =	shalt  }
0x4a: {  	_ =	shalt  }
0x4b: {  	_ =	shalt  }
0x4c: {  	_ =	shalt  }
0x4d: {  	_ =	shalt  }
0x4e: {  	_ =	shalt  }
0x4f: {  	_ =	shalt  }
0x50: {  	_ =	shalt  }
0x51: {  	_ =	shalt  }
0x52: {  	_ =	shalt  }
0x53: {  	_ =	shalt  }
0x54: {  	_ =	shalt  }
0x55: {  	_ =	shalt  }
0x56: {  	_ =	shalt  }
0x57: {  	_ =	shalt  }
0x58: {  	_ =	shalt  }
0x59: {  	_ =	shalt  }
0x5a: {  	_ =	shalt  }
0x5b: {  	_ =	shalt  }
0x5c: {  	_ =	shalt  }
0x5d: {  	_ =	shalt  }
0x5e: {  	_ =	shalt  }
0x5f: {  	_ =	shalt  }
0x60: {  	_ =	shalt  }
0x61: {  	_ =	shalt  }
0x62: {  	_ =	shalt  }
0x63: {  	_ =	shalt  }
0x64: {  	_ =	shalt  }
0x65: {  	_ =	shalt  }
0x66: {  	_ =	shalt  }
0x67: {  	_ =	shalt  }
0x68: {  	_ =	shalt  }
0x69: {  	_ =	shalt  }
0x6a: {  	_ =	shalt  }
0x6b: {  	_ =	shalt  }
0x6c: {  	_ =	shalt  }
0x6d: {  	_ =	shalt  }
0x6e: {  	_ =	shalt  }
0x6f: {  	_ =	shalt  }
0x70: {  	_ =	shalt  }
0x71: {  	_ =	shalt  }
0x72: {  	_ =	shalt  }
0x73: {  	_ =	shalt  }
0x74: {  	_ =	shalt  }
0x75: {  	_ =	shalt  }
0x76: {  	_ =	shalt  }
0x77: {  	_ =	shalt  }
0x78: {  	_ =	shalt  }
0x79: {  	_ =	shalt  }
0x7a: {  	_ =	shalt  }
0x7b: {  	_ =	shalt  }
0x7c: {  	_ =	shalt  }
0x7d: {  	_ =	shalt  }
0x7e: {  	_ =	shalt  }
0x7f: {  	_ =	shalt  }
0x80: {  	_ =	shalt  }
0x81: {  	_ =	shalt  }
0x82: {  	_ =	shalt  }
0x83: {  	_ =	shalt  }
0x84: {  	_ =	shalt  }
0x85: {  	_ =	shalt  }
0x86: {  	_ =	shalt  }
0x87: {  	_ =	shalt  }
.Lfunc_end0:
.L_simem_size_0:
called_computation_lowered:
.L_overlay_start_0:
0x88: {  	s2 =	sld [smem:$0x3FD9]  }
0x89: {  	s3 =	sld [smem:$0x3FFE];
	_ =	sdelay $0x1  }
0x8a: {  	s1 =	srdreg.scid  }
0x8b: {  	s0 =	sand.u32 $0x1, s1  }
0x8c: {  	s17 =	sshll.u32 s0, $0xA;
	s2 =	sadd.s32 s3, s2  }
0x8d: {  	s2 =	sadd.s32 s2, s17  }
0x8e: {  	[smem:$0x3FC6] =	sst s2  }
0x8f: {  	_ = 	snop  }
0x90: {  	s2 =	sld [smem:$0x3FC8]  }
0x91: {  	s18 =	sld [smem:$0x3FD0];
	(tm) =	ssettm $0x1  }
0x92: {  	s4 =	sld [smem:$0x3FFB];
	_ =	sdelay $0x3  }
0x93: {  	_ =	strace s4  }
0x94: {  	s4 =	sld [smem:$0x3FFC];
	_ =	sdelay $0x3  }
0x95: {  	_ =	strace s4  }
0x96: {  	s4 =	sld [smem:$0x3FFD];
	_ =	sdelay $0x3  }
0x97: {  	_ =	strace s4  }
0x98: {  	_ =	strace $0x8FFFFFFF  }
0x99: {  	s19 =	sld [smem:$0x3FDB];
	_ =	sdelay $0x1  }
0x9a: {  	s5 =	simm.s32 $_scs_section_size  }
0x9b: {  	s6 =	simm.s32 $_size__tile_overlayer_lowered;
	s7 =	simm.s32 $_tile_overlayer_lowered  }
0x9c: {  	s22 =	simm.s32 $0x1BFF;
	s21 =	sshll.u32 s7, $0x1;
	s4 =	sadd.s32 s5, s19  }
0x9d: {  	s8 =	simm.s32 $0x0;
	s20 =	sshll.u32 s6, $0x1;
	s6 =	sadd.s32 s21, s4  }
0x9e: {  	[timem:s8], [sflag:s22] =	dma.local [hbm:s6], s20  }
0x9f: {  	_ =	swait.ge [sflag:s22], s20  }
0xa0: {  	s5 =	ssub.s32 $0x0, s20;
	[sflag:s22] =	ssyncset.done $0x0  }
0xa1: {  	[sflag:s22] =	ssyncadd.s32 s5;
	_ =	sdelay $0x1  }
0xa2: {  	s23 =	simm.s32 $0x1B8B  }
0xa3: {  	_ =	swait.ge [sflag:s23], $0x1  }
0xa4: {  	[sflag:s23] =	ssyncset.done $0x0  }
0xa5: {  	s25 =	simm.s32 $0x1B8E;
	s24 =	sld [smem:$0x3FFE];
	[sflag:s23] =	ssyncadd.s32 $0xFFFFFFFF  }
0xa6: {  	s26 =	simm.s32 $execute0_lowered;
	[smem:$0x3FD2] =	sst s25  }
0xa7: {  	s6 =	sshll.u32 s26, $0x1;
	_ =	strace $0x80000046;
	[dreg:$0x1] =	wrdreg $0xFFFFFFFF  }
0xa8: {  	s28 =	simm.s32 $_size_execute0_lowered;
	s4 =	sadd.s32 s4, s6;
	[dreg:$0x0] =	wrdreg $0x0  }
0xa9: {  	s6 =	sshll.u32 s28, $0x1;
	[dreg:$0x2] =	wrdreg s4  }
0xaa: {  	[dreg:$0x3] =	wrdreg s6  }
0xab: {  	[dreg:$0x4] =	wrdreg $0xC0  }
0xac: {  	_ =	task [dreg:s8], $0x5FFFF  }
0xad: {  	[dreg:$0x1] =	wrdreg $0xFFFFFFFF  }
0xae: {  	[dreg:$0x0] =	wrdreg $0x60  }
0xaf: {  	[dreg:$0x2] =	wrdreg s2  }
0xb0: {  	[dreg:$0x3] =	wrdreg s24  }
0xb1: {  	[dreg:$0x4] =	wrdreg s18  }
0xb2: {  	[dreg:$0x5] =	wrdreg $0x9  }
0xb3: {  	_ =	task.clear_ibuf [dreg:s8], $0x6FFFF;
	_ =	strace $0x90000046  }
0xb4: {  	s29 =	simm.s32 $0x9;
	_ =	strace $0x80000048  }
0xb5: {  	_ =	swait.ge [sflag:s29], $0x1  }
0xb6: {  	[sflag:s29] =	ssyncadd.s32 $0xFFFFFFFF  }
0xb7: {  	_ =	strace $0x90000048  }
0xb8: {  	_ =	sfence  }
0xb9: {  	s30 =	sld [smem:$0x0];
	_ =	sdelay $0x2  }
0xba: {  	s31 =	sshll.u32 s1, $0xD;
	s1 =	sshrl.u32 s1, $0x2  }
0xbb: {  	s3 =	sand.u32 $0x4000, s31;
	s1 =	sadd.s32 s1, s30  }
0xbc: {  	s0 =	sor.u32 s3, s0;
	s1 =	sshll.u32 s1, $0x11  }
0xbd: {  	s0 =	sor.u32 s1, s0  }
0xbe: {  	s0 =	sadd.s32 $0x8F2B, s0  }
0xbf: {  	[sflag:s0] =	ssyncadd.remote.s32 $0x1  }
0xc0: {  	_ =	sfence.sel $0xFFFF  }
0xc1: {  	[dreg:$0x0] =	wrdreg $0xFFFFFFFF;
	(pc) =	sbr.abs _section_cstart, $3  }
0xc2: {  	[dreg:$0x1] =	wrdreg $0xFFFFFFFF  }
0xc3: {  	_ =	task.clear_ibuf [dreg:s8], $0x2FFFF;
	_ =	strace $0x9FFFFFFF  }
0xc4: {  	(tm) =	ssettm $0x7FFFFFFF  }
0xc5: {  	_ =	shalt  }
tec
execute0_lowered:
.L_overlay_start_1:
0x0: {  	(tag) =	ssettag $0x1  }
0x1: {  	s1 =	rddreg [dreg:$0x0]  }
0x2: {  	s4 =	rddreg [dreg:$0x1];
	s2 =	srdreg.scid  }
0x3: {  	s0 =	stileid.u32;
	s5 =	rddreg [dreg:$0x2]  }
0x4: {  	s3 =	simm.s32 $0x0;
	s12 =	simm.s32 $0xC800;
	s13 =	simm.s32 $0x1  }
0x5: {  	s14 =	simm.s32 $0x190;
	s15 =	simm.s32 $0x12C00;
	s16 =	simm.s32 $0x258  }
0x6: {  	s17 =	simm.s32 $0x19000;
	s18 =	simm.s32 $0x2;
	s19 =	simm.s32 $0x3  }
0x7: {  	s6 =	sand.u32 $0x1, s2;
	s7 =	sshll.u32 s0, $0x1;
	s11 =	smul.u32 $0xC8000, s0  }
0x8: {  	s20 =	simm.s32 $0x4;
	s7 =	sor.u32 s6, s7;
	s28 =	smul.u32 $0x64000, s6  }
0x9: {  	s21 =	simm.s32 $0x0;
	s2 =	rddreg [dreg:$0x3];
	s8 =	smul.u32 $0x6400, s7  }
0xa: {  	[smem:$0x7FF] =	sst s3;
	s10 =	ssub.s32 $0x2, s6;
	s9 =	smul.u32 $0x64000, s7  }
0xb: {  	_ =	strace $0x80000047;
	s7 =	smul.u32 $0x320000, s7;
	s26 =	sshrl.u32 s10, $0x1  }
0xc: {  	s30 =	sadd.s32 s11, s5;
	s11 =	simm.s32 $0x6400;
	s8 =	sshrl.u32 s8, $0x3  }
0xd: {  	s31 =	sadd.s32 s28, s30;
	s7 =	sshrl.u32 s7, $0x3;
	s4 =	sadd.s32 s8, s4  }
0xe: {  	s8 =	ssub.s32 s10, s26;
	s29 =	sadd.s32 s5, s7;
	s5 =	sadd.s32 s5, s9  }
0xf: {  	s9 =	simm.s32 $0x5;
	s10 =	simm.s32 $0xC8;
	s4 =	sadd.s32 $0x400, s4  }
0x10: {  	s6 =	sadd.s32 $0x62700, s29;
	s7 =	smax.u32 s8, $0x1;
	s8 =	sadd.s32 $0x1900, s31  }
.LBB2_1:
0x11: {  	[tilespmem:s3], [sflag:$0x5] =	stream.linear.gather [hbm4b:s4+s3], $0x6400, $0x38;
	[tilespmem:$0x1F400] =	vst v63  }
0x12: {  	_ =	swait.ge [sflag:s9], $0x6400  }
0x13: {  	[sflag:s9] =	ssyncset.done $0x0  }
0x14: {  	[sflag:s9] =	ssyncadd.s32 $0xFFFF9C00  }
0x15: {  	[tilespmem:s11], [sflag:$0x1] =	stream.indirect.gather [hbm4b:s1+s10], $0x80, s3, s10, $0xb8;
	[tilespmem:$0x1F400] =	vst v63  }
0x16: {  	_ = 	snop  }
0x17: {  	[tilespmem:s12], [sflag:$0x1] =	stream.indirect.gather [hbm4b:s1+s10], $0x80, s10, s10, $0xb8;
	[tilespmem:$0x1F400] =	vst v63  }
0x18: {  	_ =	swait.ge [sflag:s13], $0xC800  }
0x19: {  	[sflag:s13] =	ssyncset.done $0x0  }
0x1a: {  	[sflag:s13] =	ssyncadd.s32 $0xFFFF3800  }
0x1b: {  	[hbm4b:s5+s3] =	stream.linear.scatter [tilespmem:s11], [sflag:$0x3], $0xC800, $0x38;
	[tilespmem:$0x1F400] =	vst v63  }
0x1c: {  	_ = 	snop  }
0x1d: {  	[tilespmem:s15], [sflag:$0x2] =	stream.indirect.gather [hbm4b:s1+s10], $0x80, s14, s10, $0xb8;
	[tilespmem:$0x1F400] =	vst v63  }
0x1e: {  	_ = 	snop  }
0x1f: {  	[tilespmem:s17], [sflag:$0x2] =	stream.indirect.gather [hbm4b:s1+s10], $0x80, s16, s10, $0xb8;
	[tilespmem:$0x1F400] =	vst v63  }
0x20: {  	_ =	swait.ge [sflag:s18], $0xC800  }
0x21: {  	[sflag:s18] =	ssyncset.done $0x0  }
0x22: {  	[sflag:s18] =	ssyncadd.s32 $0xFFFF3800  }
0x23: {  	[hbm4b:s8+s3] =	stream.linear.scatter [tilespmem:s15], [sflag:$0x4], $0xC800, $0x38;
	[tilespmem:$0x1F400] =	vst v63  }
0x24: {  	_ =	swait.ge [sflag:s19], $0xC800  }
0x25: {  	[sflag:s19] =	ssyncset.done $0x0  }
0x26: {  	s22 =	simm.s32 $0x320;
	[sflag:s19] =	ssyncadd.s32 $0xFFFF3800  }
0x27: {  	[tilespmem:s11], [sflag:$0x1] =	stream.indirect.gather [hbm4b:s1+s10], $0x80, s22, s10, $0xb8;
	[tilespmem:$0x1F400] =	vst v63  }
0x28: {  	s29 =	simm.s32 $0x3E8  }
0x29: {  	[tilespmem:s12], [sflag:$0x1] =	stream.indirect.gather [hbm4b:s1+s10], $0x80, s29, s10, $0xb8;
	[tilespmem:$0x1F400] =	vst v63  }
0x2a: {  	_ =	swait.ge [sflag:s13], $0xC800  }
0x2b: {  	[sflag:s13] =	ssyncset.done $0x0  }
0x2c: {  	s30 =	sadd.s32 $0x1900, s8;
	[sflag:s13] =	ssyncadd.s32 $0xFFFF3800  }
0x2d: {  	[hbm4b:s30+s3] =	stream.linear.scatter [tilespmem:s11], [sflag:$0x3], $0xC800, $0x38;
	[tilespmem:$0x1F400] =	vst v63  }
0x2e: {  	_ =	swait.ge [sflag:s20], $0xC800  }
0x2f: {  	s31 =	simm.s32 $0x4B0;
	s24 =	simm.s32 $0x578;
	[sflag:s20] =	ssyncset.done $0x0  }
0x30: {  	s23 =	sadd.s32 $0x3200, s8;
	s22 =	simm.s32 $0xC80;
	[sflag:s20] =	ssyncadd.s32 $0xFFFF3800  }
0x31: {  	[tilespmem:s15], [sflag:$0x2] =	stream.indirect.gather [hbm4b:s1+s10], $0x80, s31, s10, $0xb8;
	[tilespmem:$0x1F400] =	vst v63  }
.LBB2_2:
0x32: {  	[tilespmem:s17], [sflag:$0x2] =	stream.indirect.gather [hbm4b:s1+s10], $0x80, s24, s10, $0xb8;
	[tilespmem:$0x1F400] =	vst v63  }
0x33: {  	s24 =	smov.u32 s22  }
0x34: {  	p0 =	sne.s32 s22, $0x17700;
	s22 =	sadd.s32 $0xC80, s22;
	_ =	swait.ge [sflag:s18], $0xC800  }
0x35: {  	[sflag:s18] =	ssyncset.done $0x0  }
0x36: {  	[sflag:s18] =	ssyncadd.s32 $0xFFFF3800  }
0x37: {  	[hbm4b:s23+s3] =	stream.linear.scatter [tilespmem:s15], [sflag:$0x4], $0xC800, $0x38;
	[tilespmem:$0x1F400] =	vst v63  }
0x38: {  	_ =	swait.ge [sflag:s19], $0xC800  }
0x39: {  	s24 =	sshra.s32 s24, $0x2;
	[sflag:s19] =	ssyncset.done $0x0  }
0x3a: {  	s25 =	sadd.s32 $0x320, s24;
	[sflag:s19] =	ssyncadd.s32 $0xFFFF3800  }
0x3b: {  	[tilespmem:s11], [sflag:$0x1] =	stream.indirect.gather [hbm4b:s1+s10], $0x80, s25, s10, $0xb8;
	[tilespmem:$0x1F400] =	vst v63  }
0x3c: {  	s25 =	sadd.s32 $0x3E8, s24  }
0x3d: {  	[tilespmem:s12], [sflag:$0x1] =	stream.indirect.gather [hbm4b:s1+s10], $0x80, s25, s10, $0xb8;
	[tilespmem:$0x1F400] =	vst v63  }
0x3e: {  	_ =	swait.ge [sflag:s13], $0xC800  }
0x3f: {  	[sflag:s13] =	ssyncset.done $0x0  }
0x40: {  	s25 =	sadd.s32 $0x1900, s23;
	[sflag:s13] =	ssyncadd.s32 $0xFFFF3800  }
0x41: {  	[hbm4b:s25+s3] =	stream.linear.scatter [tilespmem:s11], [sflag:$0x3], $0xC800, $0x38;
	[tilespmem:$0x1F400] =	vst v63  }
.Ltmp0:
0x42: {  	_ =	swait.ge [sflag:s20], $0xC800;
	(pc) =	sbr.rel @p0 .LBB2_2-.Ltmp0, $4  }
0x43: {  	[sflag:s20] =	ssyncset.done $0x0  }
0x44: {  	s25 =	sadd.s32 $0x4B0, s24;
	[sflag:s20] =	ssyncadd.s32 $0xFFFF3800  }
0x45: {  	[tilespmem:s15], [sflag:$0x2] =	stream.indirect.gather [hbm4b:s1+s10], $0x80, s25, s10, $0xb8;
	[tilespmem:$0x1F400] =	vst v63  }
0x46: {  	s23 =	sadd.s32 $0x3200, s23;
	s24 =	sadd.s32 $0x578, s24  }
0x47: {  	[tilespmem:s17], [sflag:$0x2] =	stream.indirect.gather [hbm4b:s1+s10], $0x80, s24, s10, $0xb8;
	[tilespmem:$0x1F400] =	vst v63  }
0x48: {  	_ =	swait.ge [sflag:s18], $0xC800  }
0x49: {  	[sflag:s18] =	ssyncset.done $0x0  }
0x4a: {  	s21 =	sadd.s32 $0x1, s21;
	[sflag:s18] =	ssyncadd.s32 $0xFFFF3800  }
0x4b: {  	[hbm4b:s6+s3] =	stream.linear.scatter [tilespmem:s15], [sflag:$0x4], $0xC800, $0x38;
	[tilespmem:$0x1F400] =	vst v63  }
0x4c: {  	p0 =	sne.s32 s21, s7;
	_ =	swait.ge [sflag:s19], $0xC800  }
.Ltmp1:
0x4d: {  	[sflag:s19] =	ssyncset.done $0x0;
	(pc) =	sbr.rel @p0 .LBB2_1-.Ltmp1, $4  }
0x4e: {  	[sflag:s19] =	ssyncadd.s32 $0xFFFF3800  }
0x4f: {  	_ =	swait.ge [sflag:s20], $0xC800  }
0x50: {  	[sflag:s20] =	ssyncset.done $0x0  }
0x51: {  	[sflag:s20] =	ssyncadd.s32 $0xFFFF3800  }
0x52: {  	_ =	sfence.sel $0x180000  }
0x53: {  	[bflag:$0x0] =	sbarrier.arrive $0xFFFF  }
0x54: {  	p0 =	sne.s32 s0, $0x0;
	_ =	strace $0x90000047  }
0x55: {  	s0 =	sadd.s32 @!p0 $0x100000, s2;
	[bflag:$0x2] =	sbarrier.arrive $0xFFFF  }
0x56: {  	[sflag:s0] =	ssyncadd.tile.s32 @!p0 $0x1;
	_ =	shalt  }
.Lfunc_end2:
_tile_overlayer_lowered:
.L_overlay_start_2:
0x57: {  	(tag) =	ssettag $0x2  }
0x58: {  	s0 =	rddreg [dreg:$0x0];
	s2 =	stileid.u32  }
0x59: {  	s1 =	rddreg [dreg:$0x1];
	p0 =	sne.s32 s2, $0x0  }
0x5a: {  	s3 =	rddreg [dreg:$0x2];
	[bflag:$0x3] =	sbarrier.arrive $0xFFFF;
	s2 =	simm.s32 @!p0 $0x1C05  }
0x5b: {  	[timem:s3], [sflag:s2] =	dma.local @!p0 [hbm:s0], s1  }
0x5c: {  	s0 =	simm.s32 @!p0 $0x5  }
0x5d: {  	_ =	swait.ge @!p0 [sflag:s0], s1  }
0x5e: {  	s1 =	ssub.s32 @!p0 $0x0, s1;
	[sflag:s0] =	ssyncset.done @!p0 $0x0  }
0x5f: {  	[sflag:s0] =	ssyncadd.s32 @!p0 s1  }
0x60: {  	[bflag:$0x3] =	sbarrier.arrive $0xFFFF  }
0x61: {  	_ =	shalt  }

</sc_bundles>
